<compile_context>
chip_gen: v7x
topology: tpu7x:2x2x1
jax: 0.10.2.dev20260603
libtpu: 0.0.44.dev20260713+nightly
codegen_flags: <defaults>
</compile_context>

<pallas_src>
import functools

import jax
import jax.numpy as jnp
from jax import lax
from jax.experimental import pallas as pl
from jax.experimental.pallas import tpu as pltpu
from jax.experimental.pallas import tpu_sc as plsc

_FACT = 128
_HIDDEN = 2048
_B = 8192

_NC, _NS = 1, 16
_NW = _NC * _NS
_B_PER_W = _B // _NW
_CHUNK = 128
_N_CHUNKS = _B_PER_W // _CHUNK


def _gather_body(table_hbm, idx_hbm, out_hbm, idx_v, rows_v, gsem, osem):
    wid = lax.axis_index("s") * _NC + lax.axis_index("c")
    base = wid * _B_PER_W
    pltpu.sync_copy(idx_hbm.at[pl.ds(base, _B_PER_W)], idx_v)
    gathers = []
    for j in range(_N_CHUNKS):
        gathers.append(
            pltpu.async_copy(
                table_hbm.at[idx_v.at[pl.ds(j * _CHUNK, _CHUNK)]],
                rows_v.at[pl.ds(j * _CHUNK, _CHUNK)],
                gsem,
            )
        )
    writes = []
    for j in range(_N_CHUNKS):
        gathers[j].wait()
        writes.append(
            pltpu.async_copy(
                rows_v.at[pl.ds(j * _CHUNK, _CHUNK)],
                out_hbm.at[pl.ds(base + j * _CHUNK, _CHUNK)],
                osem,
            )
        )
    for cp in writes:
        cp.wait()


_sc_gather = functools.partial(
    pl.kernel,
    out_type=jax.ShapeDtypeStruct((_B, _FACT), jnp.float32),
    mesh=plsc.VectorSubcoreMesh(
        core_axis_name="c", subcore_axis_name="s", num_cores=_NC
    ),
    scratch_types=[
        pltpu.VMEM((_B_PER_W,), jnp.int32),
        pltpu.VMEM((_B_PER_W, _FACT), jnp.float32),
        pltpu.SemaphoreType.DMA,
        pltpu.SemaphoreType.DMA,
    ],
)(_gather_body)


def _mm_body(x_ref, w_ref, o_ref):
    o_ref[...] = lax.dot_general(
        x_ref[...],
        w_ref[...],
        dimension_numbers=(((1,), (1,)), ((), ())),
        preferred_element_type=jnp.float32,
    )


_BM = 1024

_matmul = pl.pallas_call(
    _mm_body,
    grid=(_B // _BM,),
    in_specs=[
        pl.BlockSpec((_BM, _FACT), lambda i: (i, 0)),
        pl.BlockSpec((_HIDDEN, _FACT), lambda i: (0, 0)),
    ],
    out_specs=pl.BlockSpec((_BM, _HIDDEN), lambda i: (i, 0)),
    out_shape=jax.ShapeDtypeStruct((_B, _HIDDEN), jnp.float32),
)


def kernel(input_ids, embed_weight, proj_weight):
    batch, seq = input_ids.shape
    ids = input_ids.reshape(-1).astype(jnp.int32)
    x = _sc_gather(embed_weight, ids)
    y = _matmul(x, proj_weight)
    return y.reshape(batch, seq, _HIDDEN)

# --- scband reference (transcript-rebuilt; emitter-appended) ---
"""Pipeline reference for scband-optimized-fp8-embedding-17420387352695 (READ-ONLY COPY).

The authoritative reference and input builder live on the scoring server;
editing this copy changes nothing except your own understanding.
"""

import jax, jax.numpy as jnp
import numpy as np
import math

VOCAB = 1000000
HIDDEN = 2048
FACT = 128

def setup_inputs(seed: int = 0) -> dict:
    key = jax.random.key(seed)
    k1, k2, k3 = jax.random.split(key, 3)
    input_ids = jax.random.randint(k1, (4, 2048), 0, VOCAB, dtype=jnp.int64 if jax.config.read('jax_enable_x64') else jnp.int32)
    scale = math.log(max(2, VOCAB / 50257))
    embed_weight = jax.random.normal(k2, (VOCAB, FACT), dtype=jnp.float32) * (1.0 / math.sqrt(FACT * scale))
    proj_weight = jax.random.normal(k3, (HIDDEN, FACT), dtype=jnp.float32) * math.sqrt(2.0 / FACT)
    return {"input_ids": input_ids, "embed_weight": embed_weight, "proj_weight": proj_weight}

def reference(input_ids, embed_weight, proj_weight):
    # embedding gather (bf16 in original; float32 here for numerical reference)
    x = jnp.take(embed_weight, input_ids, axis=0)  # [B, S, FACT]
    # nn.Linear without bias: y = x @ W^T
    y = jnp.einsum('bsf,hf->bsh', x, proj_weight)
    return y

if __name__ == "__main__":
    import jax
    _d = setup_inputs()
    print(jax.jit(kernel)(*tuple(_d.values())))

</pallas_src>

<mosaic_0001>
#map = affine_map<(d0, d1) -> (0, 0)>
#map1 = affine_map<(d0, d1) -> (0)>
module attributes {stable_mosaic.version = 14 : i64} {
  func.func @_gather_body(%arg0: i32, %arg1: i32, %arg2: memref<1000000x128xf32, #tpu.memory_space<hbm>>, %arg3: memref<8192xi32, #tpu.memory_space<hbm>>, %arg4: memref<8192x128xf32, #tpu.memory_space<hbm>>, %arg5: memref<512xi32, #tpu.memory_space<vmem>>, %arg6: memref<512x128xf32, #tpu.memory_space<vmem>>, %arg7: memref<!tpu.dma_semaphore, #tpu.memory_space<semaphore_mem>>, %arg8: memref<!tpu.dma_semaphore, #tpu.memory_space<semaphore_mem>>) attributes {dimension_semantics = [#tpu.dimension_semantics<core_parallel>, #tpu.dimension_semantics<subcore_parallel>], iteration_bounds = array<i64: 1, 16>, scalar_prefetch = 0 : i64, scratch_operands = 4 : i64, tpu.core_type = #tpu.core_type<sc_vector_subcore>, window_params = [{transform_indices = #map}, {transform_indices = #map1}, {transform_indices = #map}]} {
    %mul3A = arith.constant 1 : i32
    %mul3A_0 = arith.muli %arg1, %mul3A : i32
    %add3A = arith.addi %mul3A_0, %arg0 : i32
    %mul3A_1 = arith.constant 512 : i32
    %mul3A_2 = arith.muli %add3A, %mul3A_1 : i32
    "tpu.region"() ({
      %run_scoped3A = tpu.sem_alloc : memref<!tpu.dma_semaphore, #tpu.memory_space<semaphore_mem>>
      %dma_start3A_153 = tpu.memref_slice %arg3[%mul3A_2] : memref<8192xi32, #tpu.memory_space<hbm>> -> memref<512xi32, #tpu.memory_space<hbm>>
      %dma_start3A_154 = tpu.memref_slice %arg3[%mul3A_2] : memref<8192xi32, #tpu.memory_space<hbm>> -> memref<512xi32, #tpu.memory_space<hbm>>
      tpu.enqueue_dma source(%dma_start3A_154 : memref<512xi32, #tpu.memory_space<hbm>>) target(%arg5 : memref<512xi32, #tpu.memory_space<vmem>>) target_semaphore(%run_scoped3A : memref<!tpu.dma_semaphore, #tpu.memory_space<semaphore_mem>>)
      %dma_wait3A_155 = tpu.memref_slice %arg3[%mul3A_2] : memref<8192xi32, #tpu.memory_space<hbm>> -> memref<512xi32, #tpu.memory_space<hbm>>
      %dma_wait3A_156 = tpu.memref_slice %arg3[%mul3A_2] : memref<8192xi32, #tpu.memory_space<hbm>> -> memref<512xi32, #tpu.memory_space<hbm>>
      tpu.wait_dma2 semaphore(%run_scoped3A : memref<!tpu.dma_semaphore, #tpu.memory_space<semaphore_mem>>) src(%dma_wait3A_156 : memref<512xi32, #tpu.memory_space<hbm>>) dst(%arg5 : memref<512xi32, #tpu.memory_space<vmem>>)
      tpu.yield
    }) : () -> ()
    %dma_start3A = arith.constant 0 : i32
    %dma_start3A_3 = arith.constant 0 : i32
    %dma_start3A_4 = tpu.memref_slice %arg6[%dma_start3A, %dma_start3A_3] : memref<512x128xf32, #tpu.memory_space<vmem>> -> memref<128x128xf32, #tpu.memory_space<vmem>>
    %dma_start3A_5 = arith.constant 0 : i32
    %dma_start3A_6 = tpu.memref_slice %arg5[%dma_start3A_5] : memref<512xi32, #tpu.memory_space<vmem>> -> memref<128xi32, #tpu.memory_space<vmem>>
    %dma_start3A_7 = arith.constant 0 : i32
    %dma_start3A_8 = arith.constant 0 : i32
    %dma_start3A_9 = tpu.memref_slice %arg2[%dma_start3A_7, %dma_start3A_8] : memref<1000000x128xf32, #tpu.memory_space<hbm>> -> memref<1000000x128xf32, #tpu.memory_space<hbm>>
    tpu.enqueue_indirect_dma source(%dma_start3A_9 : memref<1000000x128xf32, #tpu.memory_space<hbm>>) target(%dma_start3A_4 : memref<128x128xf32, #tpu.memory_space<vmem>>) offsets(%dma_start3A_6 : memref<128xi32, #tpu.memory_space<vmem>>) semaphore(%arg7 : memref<!tpu.dma_semaphore, #tpu.memory_space<semaphore_mem>>)
    %dma_start3A_10 = arith.constant 128 : i32
    %dma_start3A_11 = arith.constant 0 : i32
    %dma_start3A_12 = tpu.memref_slice %arg6[%dma_start3A_10, %dma_start3A_11] : memref<512x128xf32, #tpu.memory_space<vmem>> -> memref<128x128xf32, #tpu.memory_space<vmem>>
    %dma_start3A_13 = arith.constant 128 : i32
    %dma_start3A_14 = tpu.memref_slice %arg5[%dma_start3A_13] : memref<512xi32, #tpu.memory_space<vmem>> -> memref<128xi32, #tpu.memory_space<vmem>>
    %dma_start3A_15 = arith.constant 0 : i32
    %dma_start3A_16 = arith.constant 0 : i32
    %dma_start3A_17 = tpu.memref_slice %arg2[%dma_start3A_15, %dma_start3A_16] : memref<1000000x128xf32, #tpu.memory_space<hbm>> -> memref<1000000x128xf32, #tpu.memory_space<hbm>>
    tpu.enqueue_indirect_dma source(%dma_start3A_17 : memref<1000000x128xf32, #tpu.memory_space<hbm>>) target(%dma_start3A_12 : memref<128x128xf32, #tpu.memory_space<vmem>>) offsets(%dma_start3A_14 : memref<128xi32, #tpu.memory_space<vmem>>) semaphore(%arg7 : memref<!tpu.dma_semaphore, #tpu.memory_space<semaphore_mem>>)
    %dma_start3A_18 = arith.constant 256 : i32
    %dma_start3A_19 = arith.constant 0 : i32
    %dma_start3A_20 = tpu.memref_slice %arg6[%dma_start3A_18, %dma_start3A_19] : memref<512x128xf32, #tpu.memory_space<vmem>> -> memref<128x128xf32, #tpu.memory_space<vmem>>
    %dma_start3A_21 = arith.constant 256 : i32
    %dma_start3A_22 = tpu.memref_slice %arg5[%dma_start3A_21] : memref<512xi32, #tpu.memory_space<vmem>> -> memref<128xi32, #tpu.memory_space<vmem>>
    %dma_start3A_23 = arith.constant 0 : i32
    %dma_start3A_24 = arith.constant 0 : i32
    %dma_start3A_25 = tpu.memref_slice %arg2[%dma_start3A_23, %dma_start3A_24] : memref<1000000x128xf32, #tpu.memory_space<hbm>> -> memref<1000000x128xf32, #tpu.memory_space<hbm>>
    tpu.enqueue_indirect_dma source(%dma_start3A_25 : memref<1000000x128xf32, #tpu.memory_space<hbm>>) target(%dma_start3A_20 : memref<128x128xf32, #tpu.memory_space<vmem>>) offsets(%dma_start3A_22 : memref<128xi32, #tpu.memory_space<vmem>>) semaphore(%arg7 : memref<!tpu.dma_semaphore, #tpu.memory_space<semaphore_mem>>)
    %dma_start3A_26 = arith.constant 384 : i32
    %dma_start3A_27 = arith.constant 0 : i32
    %dma_start3A_28 = tpu.memref_slice %arg6[%dma_start3A_26, %dma_start3A_27] : memref<512x128xf32, #tpu.memory_space<vmem>> -> memref<128x128xf32, #tpu.memory_space<vmem>>
    %dma_start3A_29 = arith.constant 384 : i32
    %dma_start3A_30 = tpu.memref_slice %arg5[%dma_start3A_29] : memref<512xi32, #tpu.memory_space<vmem>> -> memref<128xi32, #tpu.memory_space<vmem>>
    %dma_start3A_31 = arith.constant 0 : i32
    %dma_start3A_32 = arith.constant 0 : i32
    %dma_start3A_33 = tpu.memref_slice %arg2[%dma_start3A_31, %dma_start3A_32] : memref<1000000x128xf32, #tpu.memory_space<hbm>> -> memref<1000000x128xf32, #tpu.memory_space<hbm>>
    tpu.enqueue_indirect_dma source(%dma_start3A_33 : memref<1000000x128xf32, #tpu.memory_space<hbm>>) target(%dma_start3A_28 : memref<128x128xf32, #tpu.memory_space<vmem>>) offsets(%dma_start3A_30 : memref<128xi32, #tpu.memory_space<vmem>>) semaphore(%arg7 : memref<!tpu.dma_semaphore, #tpu.memory_space<semaphore_mem>>)
    %dma_wait3A = arith.constant 0 : i32
    %dma_wait3A_34 = arith.constant 0 : i32
    %dma_wait3A_35 = tpu.memref_slice %arg6[%dma_wait3A, %dma_wait3A_34] : memref<512x128xf32, #tpu.memory_space<vmem>> -> memref<128x128xf32, #tpu.memory_space<vmem>>
    %dma_wait3A_36 = arith.constant 0 : i32
    %dma_wait3A_37 = tpu.memref_slice %arg5[%dma_wait3A_36] : memref<512xi32, #tpu.memory_space<vmem>> -> memref<128xi32, #tpu.memory_space<vmem>>
    %dma_wait3A_38 = arith.constant 0 : i32
    %dma_wait3A_39 = arith.constant 0 : i32
    %dma_wait3A_40 = tpu.memref_slice %arg2[%dma_wait3A_38, %dma_wait3A_39] : memref<1000000x128xf32, #tpu.memory_space<hbm>> -> memref<1000000x128xf32, #tpu.memory_space<hbm>>
    tpu.wait_indirect_dma semaphore(%arg7 : memref<!tpu.dma_semaphore, #tpu.memory_space<semaphore_mem>>) src(%dma_wait3A_40 : memref<1000000x128xf32, #tpu.memory_space<hbm>>) dst(%dma_wait3A_35 : memref<128x128xf32, #tpu.memory_space<vmem>>)
    %add3A_41 = arith.constant 0 : i32
    %add3A_42 = arith.addi %mul3A_2, %add3A_41 : i32
    %dma_start3A_43 = arith.constant 0 : i32
    %dma_start3A_44 = arith.constant 0 : i32
    %dma_start3A_45 = tpu.memref_slice %arg6[%dma_start3A_43, %dma_start3A_44] : memref<512x128xf32, #tpu.memory_space<vmem>> -> memref<128x128xf32, #tpu.memory_space<vmem>>
    %dma_start3A_46 = arith.constant 0 : i32
    %dma_start3A_47 = tpu.memref_slice %arg4[%add3A_42, %dma_start3A_46] : memref<8192x128xf32, #tpu.memory_space<hbm>> -> memref<128x128xf32, #tpu.memory_space<hbm>>
    %dma_start3A_48 = arith.constant 0 : i32
    %dma_start3A_49 = tpu.memref_slice %arg4[%add3A_42, %dma_start3A_48] : memref<8192x128xf32, #tpu.memory_space<hbm>> -> memref<128x128xf32, #tpu.memory_space<hbm>>
    %dma_start3A_50 = arith.constant 0 : i32
    %dma_start3A_51 = arith.constant 0 : i32
    %dma_start3A_52 = tpu.memref_slice %arg6[%dma_start3A_50, %dma_start3A_51] : memref<512x128xf32, #tpu.memory_space<vmem>> -> memref<128x128xf32, #tpu.memory_space<vmem>>
    tpu.enqueue_dma source(%dma_start3A_52 : memref<128x128xf32, #tpu.memory_space<vmem>>) target(%dma_start3A_49 : memref<128x128xf32, #tpu.memory_space<hbm>>) target_semaphore(%arg8 : memref<!tpu.dma_semaphore, #tpu.memory_space<semaphore_mem>>)
    %dma_wait3A_53 = arith.constant 128 : i32
    %dma_wait3A_54 = arith.constant 0 : i32
    %dma_wait3A_55 = tpu.memref_slice %arg6[%dma_wait3A_53, %dma_wait3A_54] : memref<512x128xf32, #tpu.memory_space<vmem>> -> memref<128x128xf32, #tpu.memory_space<vmem>>
    %dma_wait3A_56 = arith.constant 128 : i32
    %dma_wait3A_57 = tpu.memref_slice %arg5[%dma_wait3A_56] : memref<512xi32, #tpu.memory_space<vmem>> -> memref<128xi32, #tpu.memory_space<vmem>>
    %dma_wait3A_58 = arith.constant 0 : i32
    %dma_wait3A_59 = arith.constant 0 : i32
    %dma_wait3A_60 = tpu.memref_slice %arg2[%dma_wait3A_58, %dma_wait3A_59] : memref<1000000x128xf32, #tpu.memory_space<hbm>> -> memref<1000000x128xf32, #tpu.memory_space<hbm>>
    tpu.wait_indirect_dma semaphore(%arg7 : memref<!tpu.dma_semaphore, #tpu.memory_space<semaphore_mem>>) src(%dma_wait3A_60 : memref<1000000x128xf32, #tpu.memory_space<hbm>>) dst(%dma_wait3A_55 : memref<128x128xf32, #tpu.memory_space<vmem>>)
    %add3A_61 = arith.constant 128 : i32
    %add3A_62 = arith.addi %mul3A_2, %add3A_61 : i32
    %dma_start3A_63 = arith.constant 128 : i32
    %dma_start3A_64 = arith.constant 0 : i32
    %dma_start3A_65 = tpu.memref_slice %arg6[%dma_start3A_63, %dma_start3A_64] : memref<512x128xf32, #tpu.memory_space<vmem>> -> memref<128x128xf32, #tpu.memory_space<vmem>>
    %dma_start3A_66 = arith.constant 0 : i32
    %dma_start3A_67 = tpu.memref_slice %arg4[%add3A_62, %dma_start3A_66] : memref<8192x128xf32, #tpu.memory_space<hbm>> -> memref<128x128xf32, #tpu.memory_space<hbm>>
    %dma_start3A_68 = arith.constant 0 : i32
    %dma_start3A_69 = tpu.memref_slice %arg4[%add3A_62, %dma_start3A_68] : memref<8192x128xf32, #tpu.memory_space<hbm>> -> memref<128x128xf32, #tpu.memory_space<hbm>>
    %dma_start3A_70 = arith.constant 128 : i32
    %dma_start3A_71 = arith.constant 0 : i32
    %dma_start3A_72 = tpu.memref_slice %arg6[%dma_start3A_70, %dma_start3A_71] : memref<512x128xf32, #tpu.memory_space<vmem>> -> memref<128x128xf32, #tpu.memory_space<vmem>>
    tpu.enqueue_dma source(%dma_start3A_72 : memref<128x128xf32, #tpu.memory_space<vmem>>) target(%dma_start3A_69 : memref<128x128xf32, #tpu.memory_space<hbm>>) target_semaphore(%arg8 : memref<!tpu.dma_semaphore, #tpu.memory_space<semaphore_mem>>)
    %dma_wait3A_73 = arith.constant 256 : i32
    %dma_wait3A_74 = arith.constant 0 : i32
    %dma_wait3A_75 = tpu.memref_slice %arg6[%dma_wait3A_73, %dma_wait3A_74] : memref<512x128xf32, #tpu.memory_space<vmem>> -> memref<128x128xf32, #tpu.memory_space<vmem>>
    %dma_wait3A_76 = arith.constant 256 : i32
    %dma_wait3A_77 = tpu.memref_slice %arg5[%dma_wait3A_76] : memref<512xi32, #tpu.memory_space<vmem>> -> memref<128xi32, #tpu.memory_space<vmem>>
    %dma_wait3A_78 = arith.constant 0 : i32
    %dma_wait3A_79 = arith.constant 0 : i32
    %dma_wait3A_80 = tpu.memref_slice %arg2[%dma_wait3A_78, %dma_wait3A_79] : memref<1000000x128xf32, #tpu.memory_space<hbm>> -> memref<1000000x128xf32, #tpu.memory_space<hbm>>
    tpu.wait_indirect_dma semaphore(%arg7 : memref<!tpu.dma_semaphore, #tpu.memory_space<semaphore_mem>>) src(%dma_wait3A_80 : memref<1000000x128xf32, #tpu.memory_space<hbm>>) dst(%dma_wait3A_75 : memref<128x128xf32, #tpu.memory_space<vmem>>)
    %add3A_81 = arith.constant 256 : i32
    %add3A_82 = arith.addi %mul3A_2, %add3A_81 : i32
    %dma_start3A_83 = arith.constant 256 : i32
    %dma_start3A_84 = arith.constant 0 : i32
    %dma_start3A_85 = tpu.memref_slice %arg6[%dma_start3A_83, %dma_start3A_84] : memref<512x128xf32, #tpu.memory_space<vmem>> -> memref<128x128xf32, #tpu.memory_space<vmem>>
    %dma_start3A_86 = arith.constant 0 : i32
    %dma_start3A_87 = tpu.memref_slice %arg4[%add3A_82, %dma_start3A_86] : memref<8192x128xf32, #tpu.memory_space<hbm>> -> memref<128x128xf32, #tpu.memory_space<hbm>>
    %dma_start3A_88 = arith.constant 0 : i32
    %dma_start3A_89 = tpu.memref_slice %arg4[%add3A_82, %dma_start3A_88] : memref<8192x128xf32, #tpu.memory_space<hbm>> -> memref<128x128xf32, #tpu.memory_space<hbm>>
    %dma_start3A_90 = arith.constant 256 : i32
    %dma_start3A_91 = arith.constant 0 : i32
    %dma_start3A_92 = tpu.memref_slice %arg6[%dma_start3A_90, %dma_start3A_91] : memref<512x128xf32, #tpu.memory_space<vmem>> -> memref<128x128xf32, #tpu.memory_space<vmem>>
    tpu.enqueue_dma source(%dma_start3A_92 : memref<128x128xf32, #tpu.memory_space<vmem>>) target(%dma_start3A_89 : memref<128x128xf32, #tpu.memory_space<hbm>>) target_semaphore(%arg8 : memref<!tpu.dma_semaphore, #tpu.memory_space<semaphore_mem>>)
    %dma_wait3A_93 = arith.constant 384 : i32
    %dma_wait3A_94 = arith.constant 0 : i32
    %dma_wait3A_95 = tpu.memref_slice %arg6[%dma_wait3A_93, %dma_wait3A_94] : memref<512x128xf32, #tpu.memory_space<vmem>> -> memref<128x128xf32, #tpu.memory_space<vmem>>
    %dma_wait3A_96 = arith.constant 384 : i32
    %dma_wait3A_97 = tpu.memref_slice %arg5[%dma_wait3A_96] : memref<512xi32, #tpu.memory_space<vmem>> -> memref<128xi32, #tpu.memory_space<vmem>>
    %dma_wait3A_98 = arith.constant 0 : i32
    %dma_wait3A_99 = arith.constant 0 : i32
    %dma_wait3A_100 = tpu.memref_slice %arg2[%dma_wait3A_98, %dma_wait3A_99] : memref<1000000x128xf32, #tpu.memory_space<hbm>> -> memref<1000000x128xf32, #tpu.memory_space<hbm>>
    tpu.wait_indirect_dma semaphore(%arg7 : memref<!tpu.dma_semaphore, #tpu.memory_space<semaphore_mem>>) src(%dma_wait3A_100 : memref<1000000x128xf32, #tpu.memory_space<hbm>>) dst(%dma_wait3A_95 : memref<128x128xf32, #tpu.memory_space<vmem>>)
    %add3A_101 = arith.constant 384 : i32
    %add3A_102 = arith.addi %mul3A_2, %add3A_101 : i32
    %dma_start3A_103 = arith.constant 384 : i32
    %dma_start3A_104 = arith.constant 0 : i32
    %dma_start3A_105 = tpu.memref_slice %arg6[%dma_start3A_103, %dma_start3A_104] : memref<512x128xf32, #tpu.memory_space<vmem>> -> memref<128x128xf32, #tpu.memory_space<vmem>>
    %dma_start3A_106 = arith.constant 0 : i32
    %dma_start3A_107 = tpu.memref_slice %arg4[%add3A_102, %dma_start3A_106] : memref<8192x128xf32, #tpu.memory_space<hbm>> -> memref<128x128xf32, #tpu.memory_space<hbm>>
    %dma_start3A_108 = arith.constant 0 : i32
    %dma_start3A_109 = tpu.memref_slice %arg4[%add3A_102, %dma_start3A_108] : memref<8192x128xf32, #tpu.memory_space<hbm>> -> memref<128x128xf32, #tpu.memory_space<hbm>>
    %dma_start3A_110 = arith.constant 384 : i32
    %dma_start3A_111 = arith.constant 0 : i32
    %dma_start3A_112 = tpu.memref_slice %arg6[%dma_start3A_110, %dma_start3A_111] : memref<512x128xf32, #tpu.memory_space<vmem>> -> memref<128x128xf32, #tpu.memory_space<vmem>>
    tpu.enqueue_dma source(%dma_start3A_112 : memref<128x128xf32, #tpu.memory_space<vmem>>) target(%dma_start3A_109 : memref<128x128xf32, #tpu.memory_space<hbm>>) target_semaphore(%arg8 : memref<!tpu.dma_semaphore, #tpu.memory_space<semaphore_mem>>)
    %dma_wait3A_113 = arith.constant 0 : i32
    %dma_wait3A_114 = arith.constant 0 : i32
    %dma_wait3A_115 = tpu.memref_slice %arg6[%dma_wait3A_113, %dma_wait3A_114] : memref<512x128xf32, #tpu.memory_space<vmem>> -> memref<128x128xf32, #tpu.memory_space<vmem>>
    %dma_wait3A_116 = arith.constant 0 : i32
    %dma_wait3A_117 = tpu.memref_slice %arg4[%add3A_42, %dma_wait3A_116] : memref<8192x128xf32, #tpu.memory_space<hbm>> -> memref<128x128xf32, #tpu.memory_space<hbm>>
    %dma_wait3A_118 = arith.constant 0 : i32
    %dma_wait3A_119 = tpu.memref_slice %arg4[%add3A_42, %dma_wait3A_118] : memref<8192x128xf32, #tpu.memory_space<hbm>> -> memref<128x128xf32, #tpu.memory_space<hbm>>
    %dma_wait3A_120 = arith.constant 0 : i32
    %dma_wait3A_121 = arith.constant 0 : i32
    %dma_wait3A_122 = tpu.memref_slice %arg6[%dma_wait3A_120, %dma_wait3A_121] : memref<512x128xf32, #tpu.memory_space<vmem>> -> memref<128x128xf32, #tpu.memory_space<vmem>>
    tpu.wait_dma2 semaphore(%arg8 : memref<!tpu.dma_semaphore, #tpu.memory_space<semaphore_mem>>) src(%dma_wait3A_122 : memref<128x128xf32, #tpu.memory_space<vmem>>) dst(%dma_wait3A_119 : memref<128x128xf32, #tpu.memory_space<hbm>>)
    %dma_wait3A_123 = arith.constant 128 : i32
    %dma_wait3A_124 = arith.constant 0 : i32
    %dma_wait3A_125 = tpu.memref_slice %arg6[%dma_wait3A_123, %dma_wait3A_124] : memref<512x128xf32, #tpu.memory_space<vmem>> -> memref<128x128xf32, #tpu.memory_space<vmem>>
    %dma_wait3A_126 = arith.constant 0 : i32
    %dma_wait3A_127 = tpu.memref_slice %arg4[%add3A_62, %dma_wait3A_126] : memref<8192x128xf32, #tpu.memory_space<hbm>> -> memref<128x128xf32, #tpu.memory_space<hbm>>
    %dma_wait3A_128 = arith.constant 0 : i32
    %dma_wait3A_129 = tpu.memref_slice %arg4[%add3A_62, %dma_wait3A_128] : memref<8192x128xf32, #tpu.memory_space<hbm>> -> memref<128x128xf32, #tpu.memory_space<hbm>>
    %dma_wait3A_130 = arith.constant 128 : i32
    %dma_wait3A_131 = arith.constant 0 : i32
    %dma_wait3A_132 = tpu.memref_slice %arg6[%dma_wait3A_130, %dma_wait3A_131] : memref<512x128xf32, #tpu.memory_space<vmem>> -> memref<128x128xf32, #tpu.memory_space<vmem>>
    tpu.wait_dma2 semaphore(%arg8 : memref<!tpu.dma_semaphore, #tpu.memory_space<semaphore_mem>>) src(%dma_wait3A_132 : memref<128x128xf32, #tpu.memory_space<vmem>>) dst(%dma_wait3A_129 : memref<128x128xf32, #tpu.memory_space<hbm>>)
    %dma_wait3A_133 = arith.constant 256 : i32
    %dma_wait3A_134 = arith.constant 0 : i32
    %dma_wait3A_135 = tpu.memref_slice %arg6[%dma_wait3A_133, %dma_wait3A_134] : memref<512x128xf32, #tpu.memory_space<vmem>> -> memref<128x128xf32, #tpu.memory_space<vmem>>
    %dma_wait3A_136 = arith.constant 0 : i32
    %dma_wait3A_137 = tpu.memref_slice %arg4[%add3A_82, %dma_wait3A_136] : memref<8192x128xf32, #tpu.memory_space<hbm>> -> memref<128x128xf32, #tpu.memory_space<hbm>>
    %dma_wait3A_138 = arith.constant 0 : i32
    %dma_wait3A_139 = tpu.memref_slice %arg4[%add3A_82, %dma_wait3A_138] : memref<8192x128xf32, #tpu.memory_space<hbm>> -> memref<128x128xf32, #tpu.memory_space<hbm>>
    %dma_wait3A_140 = arith.constant 256 : i32
    %dma_wait3A_141 = arith.constant 0 : i32
    %dma_wait3A_142 = tpu.memref_slice %arg6[%dma_wait3A_140, %dma_wait3A_141] : memref<512x128xf32, #tpu.memory_space<vmem>> -> memref<128x128xf32, #tpu.memory_space<vmem>>
    tpu.wait_dma2 semaphore(%arg8 : memref<!tpu.dma_semaphore, #tpu.memory_space<semaphore_mem>>) src(%dma_wait3A_142 : memref<128x128xf32, #tpu.memory_space<vmem>>) dst(%dma_wait3A_139 : memref<128x128xf32, #tpu.memory_space<hbm>>)
    %dma_wait3A_143 = arith.constant 384 : i32
    %dma_wait3A_144 = arith.constant 0 : i32
    %dma_wait3A_145 = tpu.memref_slice %arg6[%dma_wait3A_143, %dma_wait3A_144] : memref<512x128xf32, #tpu.memory_space<vmem>> -> memref<128x128xf32, #tpu.memory_space<vmem>>
    %dma_wait3A_146 = arith.constant 0 : i32
    %dma_wait3A_147 = tpu.memref_slice %arg4[%add3A_102, %dma_wait3A_146] : memref<8192x128xf32, #tpu.memory_space<hbm>> -> memref<128x128xf32, #tpu.memory_space<hbm>>
    %dma_wait3A_148 = arith.constant 0 : i32
    %dma_wait3A_149 = tpu.memref_slice %arg4[%add3A_102, %dma_wait3A_148] : memref<8192x128xf32, #tpu.memory_space<hbm>> -> memref<128x128xf32, #tpu.memory_space<hbm>>
    %dma_wait3A_150 = arith.constant 384 : i32
    %dma_wait3A_151 = arith.constant 0 : i32
    %dma_wait3A_152 = tpu.memref_slice %arg6[%dma_wait3A_150, %dma_wait3A_151] : memref<512x128xf32, #tpu.memory_space<vmem>> -> memref<128x128xf32, #tpu.memory_space<vmem>>
    tpu.wait_dma2 semaphore(%arg8 : memref<!tpu.dma_semaphore, #tpu.memory_space<semaphore_mem>>) src(%dma_wait3A_152 : memref<128x128xf32, #tpu.memory_space<vmem>>) dst(%dma_wait3A_149 : memref<128x128xf32, #tpu.memory_space<hbm>>)
    return
  }
}

module attributes {stable_mosaic.version = 14 : i64} {
  func.func @_mm_body(%arg0: i32, %arg1: memref<1024x128xf32, #tpu.memory_space<vmem>>, %arg2: memref<2048x128xf32, #tpu.memory_space<vmem>>, %arg3: memref<1024x2048xf32, #tpu.memory_space<vmem>>) attributes {dimension_semantics = [#tpu.dimension_semantics<arbitrary>], iteration_bounds = array<i64: 8>, scalar_prefetch = 0 : i64, scratch_operands = 0 : i64, tpu.core_type = #tpu.core_type<tc>, window_params = [{transform_indices = @transform_0, window_bounds = array<i64: 1024, 128>}, {pipeline_mode = #tpu.pipeline_mode<synchronous>, transform_indices = @transform_1, window_bounds = array<i64: 2048, 128>}, {transform_indices = @transform_2, window_bounds = array<i64: 1024, 2048>}]} {
    %get3A = arith.constant 0 : index
    %get3A_0 = arith.constant 0 : index
    %get3A_1 = vector.load %arg1[%get3A, %get3A_0] : memref<1024x128xf32, #tpu.memory_space<vmem>>, vector<1024x128xf32>
    %get3A_2 = arith.constant 0 : index
    %get3A_3 = arith.constant 0 : index
    %get3A_4 = vector.load %arg2[%get3A_2, %get3A_3] : memref<2048x128xf32, #tpu.memory_space<vmem>>, vector<2048x128xf32>
    %dot_general3A = arith.constant dense<0.000000e+00> : vector<1024x2048xf32>
    %dot_general3A_5 = tpu.matmul %get3A_1, %get3A_4, %dot_general3A {dimension_numbers = #tpu.dot_dimension_numbers<[1], [1], [0], [0], [0, 0, 1, 0], [], []>, transpose_lhs_hint = false} : vector<1024x128xf32>, vector<2048x128xf32>, vector<1024x2048xf32> -> vector<1024x2048xf32>
    %swap3A = arith.constant 0 : index
    %swap3A_6 = arith.constant 0 : index
    %swap3A_7 = vector.load %arg3[%swap3A, %swap3A_6] : memref<1024x2048xf32, #tpu.memory_space<vmem>>, vector<1024x2048xf32>
    tpu.vector_store %arg3[%swap3A, %swap3A_6], %dot_general3A_5 {strides = array<i32>} : memref<1024x2048xf32, #tpu.memory_space<vmem>>, vector<1024x2048xf32>,
    return
  }
  func.func @transform_0(%arg0: i32) -> (i32, i32) {
    %c0_i32 = arith.constant 0 : i32
    %c0_i32_0 = arith.constant 0 : i32
    return %arg0, %c0_i32 : i32, i32
  }
  func.func @transform_1(%arg0: i32) -> (i32, i32) {
    %c0_i32 = arith.constant 0 : i32
    %c0_i32_0 = arith.constant 0 : i32
    %c0_i32_1 = arith.constant 0 : i32
    return %c0_i32, %c0_i32_0 : i32, i32
  }
  func.func @transform_2(%arg0: i32) -> (i32, i32) {
    %c0_i32 = arith.constant 0 : i32
    %c0_i32_0 = arith.constant 0 : i32
    return %arg0, %c0_i32 : i32, i32
  }
}

</mosaic_0001>

<sc_bundles>
// kernel: kernel.4.cloned.1.call-start
scs
__scs_entry_jumppad:
0x0: {  	(pc) =	sbr.rel $0x88, $3  }
0x1: {  	(tag) =	ssettag $0x0;
	lr =	simm.s32 $0x1  }
0x2: {  	[smem:$0x3F9E] =	sst lr;
	_ =	strace $0xD0000000  }
0x3: {  	_ = 	snop  }
0x4: {  	_ = 	snop  }
0x5: {  	_ = 	snop  }
0x6: {  	_ = 	snop  }
0x7: {  	_ = 	snop  }
__scs_overlays_trampoline_lowered:
0x8: {  	[smem:$0x3FAD] =	sst s0  }
0x9: {  	[smem:$0x3FAE] =	sst s1  }
0xa: {  	[smem:$0x3FAF] =	sst s2  }
0xb: {  	[smem:$0x3FB0] =	sst s3  }
0xc: {  	[smem:$0x3FB1] =	sst s4  }
0xd: {  	[smem:$0x3FB2] =	sst s5  }
0xe: {  	[smem:$0x3FB3] =	sst s6  }
0xf: {  	[smem:$0x3FB4] =	sst s7  }
0x10: {  	[smem:$0x3FB5] =	sst s8  }
0x11: {  	[smem:$0x3FB6] =	sst s9;
	s0 =	simm.s32 @!p0 $0x0  }
0x12: {  	s1 =	sld [smem:$0x3F9C];
	s0 =	simm.s32 @p0 $0x1  }
0x13: {  	[smem:$0x3FB7] =	sst s0;
	s0 =	simm.s32 @!p1 $0x0  }
0x14: {  	s2 =	sld [smem:$0x3F9B];
	s0 =	simm.s32 @p1 $0x1  }
0x15: {  	[smem:$0x3FB8] =	sst s0;
	s0 =	simm.s32 @!p2 $0x0  }
0x16: {  	s3 =	sld [smem:$0x3FDB];
	s0 =	simm.s32 @p2 $0x1  }
0x17: {  	s4 =	simm.s32 $0x1BF5;
	[smem:$0x3FBA] =	sst s0  }
0x18: {  	s0 =	sld [smem:$0x3F9D];
	_ =	swait.ge [sflag:s4], $0x0  }
0x19: {  	s7 =	sld [smem:$0x3F9E]  }
0x1a: {  	s8 =	sadd.s32 $0xFFFFE003, lr  }
0x1b: {  	s9 =	sadd.s32 $0xFFFFFEF7, lr;
	s5 =	simm.s32 $0xFFFFFFFF;
	p2 =	slt.u32 s8, $0xFFFFF086  }
0x1c: {  	p1 =	slt.u32 s9, $0xF7A;
	s5 =	simm.s32 @!p2 $0x0  }
0x1d: {  	s5 =	simm.s32 @p1 $0x1;
	p0 =	seq.s32 s7, s2  }
0x1e: {  	s7 =	smul.u32 @!p0 $0xF7A, s2;
	p2 =	seq.s32 @!p0 s5, $0x0  }
0x1f: {  	s9 =	smul.u32 $0xF7A, s1;
	s8 =	simm.s32 @!p0 $0x1BF5;
	p2 =	por !p2, p0  }
0x20: {  	[sflag:s8] =	ssyncset.s32 @!p0 $0xFFFFF086;
	s6 =	sadd.s32 @!p0 s3, s7;
	s7 =	simm.s32 @!p0 $0x108  }
0x21: {  	s3 =	sadd.s32 s3, s9;
	s6 =	sadd.s32 @!p0 $0x88, s6;
	s7 =	simm.s32 @p2 $0x1082  }
0x22: {  	[simem:s7], [sflag:s8] =	dma.local @!p0 [hbm:s6], $0xF7A  }
0x23: {  	s9 =	sor.u32 $0xD0000000, s2;
	s6 =	simm.s32 $0x108;
	_ =	swait.ge @!p0 [sflag:s8], $0x0  }
0x24: {  	s3 =	sadd.s32 $0x88, s3;
	s6 =	simm.s32 @!p1 $0x1082;
	[sflag:s4] =	ssyncset.s32 $0xFFFFF086  }
0x25: {  	[simem:s6], [sflag:s4] =	dma.local [hbm:s3], $0xF7A  }
0x26: {  	[smem:$0x3F9E] =	sst s1;
	(tag) =	ssettag s2;
	_ =	strace s9  }
0x27: {  	s1 =	sld [smem:$0x3FAE]  }
0x28: {  	s2 =	sld [smem:$0x3FAF]  }
0x29: {  	s4 =	sld [smem:$0x3FB1]  }
0x2a: {  	p0 =	seq.s32 s5, $0x0;
	s5 =	sld [smem:$0x3FB2]  }
0x2b: {  	s6 =	sld [smem:$0x3FB3]  }
0x2c: {  	s7 =	sld [smem:$0x3FB4]  }
0x2d: {  	s3 =	simm.s32 $0x108;
	s8 =	sld [smem:$0x3FB5]  }
0x2e: {  	s3 =	simm.s32 @!p0 $0x1082;
	s9 =	sld [smem:$0x3FB6]  }
0x2f: {  	lr =	sadd.s32 s0, s3;
	s0 =	sld [smem:$0x3FAD]  }
0x30: {  	s3 =	sld [smem:$0x3FB0]  }
0x31: {  	[smem:$0x3FB9] =	sst s10  }
0x32: {  	s10 =	sld [smem:$0x3FB7];
	_ =	sdelay $0x3  }
0x33: {  	p0 =	seq.s32 s10, $0x1;
	s10 =	sld [smem:$0x3FB9];
	_ =	sdelay $0x3  }
0x34: {  	[smem:$0x3FB9] =	sst s10  }
0x35: {  	s10 =	sld [smem:$0x3FB8];
	_ =	sdelay $0x3  }
0x36: {  	p1 =	seq.s32 s10, $0x1;
	s10 =	sld [smem:$0x3FB9];
	_ =	sdelay $0x3  }
0x37: {  	[smem:$0x3FB9] =	sst s10  }
0x38: {  	s10 =	sld [smem:$0x3FBA]  }
0x39: {  	_ = 	snop;
	(pc) =	sbr.ind lr, $3  }
0x3a: {  	_ = 	snop  }
0x3b: {  	_ = 	snop  }
0x3c: {  	p2 =	seq.s32 s10, $0x1;
	s10 =	sld [smem:$0x3FB9]  }
0x3d: {  	_ =	shalt  }
0x3e: {  	_ =	shalt  }
0x3f: {  	_ =	shalt  }
0x40: {  	_ =	shalt  }
0x41: {  	_ =	shalt  }
0x42: {  	_ =	shalt  }
0x43: {  	_ =	shalt  }
0x44: {  	_ =	shalt  }
0x45: {  	_ =	shalt  }
0x46: {  	_ =	shalt  }
0x47: {  	_ =	shalt  }
0x48: {  	_ =	shalt  }
0x49: {  	_ =	shalt  }
0x4a: {  	_ =	shalt  }
0x4b: {  	_ =	shalt  }
0x4c: {  	_ =	shalt  }
0x4d: {  	_ =	shalt  }
0x4e: {  	_ =	shalt  }
0x4f: {  	_ =	shalt  }
0x50: {  	_ =	shalt  }
0x51: {  	_ =	shalt  }
0x52: {  	_ =	shalt  }
0x53: {  	_ =	shalt  }
0x54: {  	_ =	shalt  }
0x55: {  	_ =	shalt  }
0x56: {  	_ =	shalt  }
0x57: {  	_ =	shalt  }
0x58: {  	_ =	shalt  }
0x59: {  	_ =	shalt  }
0x5a: {  	_ =	shalt  }
0x5b: {  	_ =	shalt  }
0x5c: {  	_ =	shalt  }
0x5d: {  	_ =	shalt  }
0x5e: {  	_ =	shalt  }
0x5f: {  	_ =	shalt  }
0x60: {  	_ =	shalt  }
0x61: {  	_ =	shalt  }
0x62: {  	_ =	shalt  }
0x63: {  	_ =	shalt  }
0x64: {  	_ =	shalt  }
0x65: {  	_ =	shalt  }
0x66: {  	_ =	shalt  }
0x67: {  	_ =	shalt  }
0x68: {  	_ =	shalt  }
0x69: {  	_ =	shalt  }
0x6a: {  	_ =	shalt  }
0x6b: {  	_ =	shalt  }
0x6c: {  	_ =	shalt  }
0x6d: {  	_ =	shalt  }
0x6e: {  	_ =	shalt  }
0x6f: {  	_ =	shalt  }
0x70: {  	_ =	shalt  }
0x71: {  	_ =	shalt  }
0x72: {  	_ =	shalt  }
0x73: {  	_ =	shalt  }
0x74: {  	_ =	shalt  }
0x75: {  	_ =	shalt  }
0x76: {  	_ =	shalt  }
0x77: {  	_ =	shalt  }
0x78: {  	_ =	shalt  }
0x79: {  	_ =	shalt  }
0x7a: {  	_ =	shalt  }
0x7b: {  	_ =	shalt  }
0x7c: {  	_ =	shalt  }
0x7d: {  	_ =	shalt  }
0x7e: {  	_ =	shalt  }
0x7f: {  	_ =	shalt  }
0x80: {  	_ =	shalt  }
0x81: {  	_ =	shalt  }
0x82: {  	_ =	shalt  }
0x83: {  	_ =	shalt  }
0x84: {  	_ =	shalt  }
0x85: {  	_ =	shalt  }
0x86: {  	_ =	shalt  }
0x87: {  	_ =	shalt  }
.Lfunc_end0:
.L_simem_size_0:
called_computation_lowered:
.L_overlay_start_0:
0x88: {  	s0 =	sld [smem:$0x3FD9]  }
0x89: {  	s1 =	sld [smem:$0x3FFE];
	_ =	sdelay $0x3  }
0x8a: {  	s0 =	sadd.s32 s1, s0  }
0x8b: {  	[smem:$0x3FC5] =	sst s0  }
0x8c: {  	_ = 	snop  }
0x8d: {  	s0 =	sld [smem:$0x3FC8]  }
0x8e: {  	s16 =	sld [smem:$0x3FD0];
	(tm) =	ssettm $0x1  }
0x8f: {  	s2 =	sld [smem:$0x3FFB];
	_ =	sdelay $0x3  }
0x90: {  	_ =	strace s2  }
0x91: {  	s2 =	sld [smem:$0x3FFC];
	_ =	sdelay $0x3  }
0x92: {  	_ =	strace s2  }
0x93: {  	s2 =	sld [smem:$0x3FFD];
	_ =	sdelay $0x3  }
0x94: {  	_ =	strace s2  }
0x95: {  	_ =	strace $0x8FFFFFFF  }
0x96: {  	s17 =	sld [smem:$0x3FDB];
	_ =	sdelay $0x1  }
0x97: {  	s3 =	simm.s32 $_scs_section_size  }
0x98: {  	s4 =	simm.s32 $_size__tile_overlayer_lowered;
	s5 =	simm.s32 $_tile_overlayer_lowered  }
0x99: {  	s20 =	simm.s32 $0x1BFF;
	s19 =	sshll.u32 s5, $0x1;
	s2 =	sadd.s32 s3, s17  }
0x9a: {  	s6 =	simm.s32 $0x0;
	s18 =	sshll.u32 s4, $0x1;
	s4 =	sadd.s32 s19, s2  }
0x9b: {  	[timem:s6], [sflag:s20] =	dma.local [hbm:s4], s18  }
0x9c: {  	_ =	swait.ge [sflag:s20], s18  }
0x9d: {  	s3 =	ssub.s32 $0x0, s18;
	[sflag:s20] =	ssyncset.done $0x0  }
0x9e: {  	[sflag:s20] =	ssyncadd.s32 s3;
	_ =	sdelay $0x1  }
0x9f: {  	s21 =	simm.s32 $0x1B8B  }
0xa0: {  	_ =	swait.ge [sflag:s21], $0x1  }
0xa1: {  	[sflag:s21] =	ssyncset.done $0x0  }
0xa2: {  	s23 =	simm.s32 $0x1B8E;
	s22 =	sld [smem:$0x3FFE];
	[sflag:s21] =	ssyncadd.s32 $0xFFFFFFFF  }
0xa3: {  	s24 =	simm.s32 $execute0_lowered;
	[smem:$0x3FD2] =	sst s23  }
0xa4: {  	s4 =	sshll.u32 s24, $0x1;
	_ =	strace $0x80000046;
	[dreg:$0x1] =	wrdreg $0xFFFFFFFF  }
0xa5: {  	s25 =	simm.s32 $_size_execute0_lowered;
	s2 =	sadd.s32 s2, s4;
	[dreg:$0x0] =	wrdreg $0x0  }
0xa6: {  	s4 =	sshll.u32 s25, $0x1;
	[dreg:$0x2] =	wrdreg s2  }
0xa7: {  	[dreg:$0x3] =	wrdreg s4  }
0xa8: {  	[dreg:$0x4] =	wrdreg $0xC0  }
0xa9: {  	_ =	task [dreg:s6], $0x5FFFF  }
0xaa: {  	[dreg:$0x1] =	wrdreg $0xFFFFFFFF  }
0xab: {  	[dreg:$0x0] =	wrdreg $0x60  }
0xac: {  	[dreg:$0x2] =	wrdreg s0  }
0xad: {  	[dreg:$0x3] =	wrdreg s22  }
0xae: {  	[dreg:$0x4] =	wrdreg s16  }
0xaf: {  	[dreg:$0x5] =	wrdreg $0x9  }
0xb0: {  	_ =	task.clear_ibuf [dreg:s6], $0x6FFFF;
	_ =	strace $0x90000046  }
0xb1: {  	s26 =	simm.s32 $0x9;
	_ =	strace $0x80000048  }
0xb2: {  	_ =	swait.ge [sflag:s26], $0x1  }
0xb3: {  	[sflag:s26] =	ssyncadd.s32 $0xFFFFFFFF  }
0xb4: {  	_ =	strace $0x90000048  }
0xb5: {  	_ =	sfence  }
0xb6: {  	s28 =	sld [smem:$0x0];
	_ =	sdelay $0x1  }
0xb7: {  	s29 =	srdreg.scid  }
0xb8: {  	s30 =	sshll.u32 s29, $0xD;
	s31 =	sshrl.u32 s29, $0x2  }
0xb9: {  	s1 =	sand.u32 $0x1, s29;
	s2 =	sand.u32 $0x4000, s30;
	s0 =	sadd.s32 s31, s28  }
0xba: {  	s1 =	sor.u32 s2, s1;
	s0 =	sshll.u32 s0, $0x11  }
0xbb: {  	s0 =	sor.u32 s0, s1  }
0xbc: {  	s0 =	sadd.s32 $0x8F2B, s0  }
0xbd: {  	[sflag:s0] =	ssyncadd.remote.s32 $0x1  }
0xbe: {  	_ =	sfence.sel $0xFFFF  }
0xbf: {  	[dreg:$0x0] =	wrdreg $0xFFFFFFFF;
	(pc) =	sbr.abs _section_cstart, $3  }
0xc0: {  	[dreg:$0x1] =	wrdreg $0xFFFFFFFF  }
0xc1: {  	_ =	task.clear_ibuf [dreg:s6], $0x2FFFF;
	_ =	strace $0x9FFFFFFF  }
0xc2: {  	(tm) =	ssettm $0x7FFFFFFF  }
0xc3: {  	_ =	shalt  }
tec
execute0_lowered:
.L_overlay_start_1:
0x0: {  	(tag) =	ssettag $0x1  }
0x1: {  	s1 =	rddreg [dreg:$0x0]  }
0x2: {  	s2 =	rddreg [dreg:$0x1]  }
0x3: {  	s3 =	rddreg [dreg:$0x2];
	s4 =	stileid.u32  }
0x4: {  	s0 =	rddreg [dreg:$0x3];
	s5 =	simm.s32 $0x0;
	s6 =	sshll.u32 s4, $0x6  }
0x5: {  	[smem:$0x7FF] =	sst s5;
	s2 =	sadd.s32 s6, s2  }
0x6: {  	s23 =	simm.s32 $0x3;
	_ =	strace $0x80000047;
	s2 =	sadd.s32 $0x800, s2  }
0x7: {  	[tilespmem:s5], [sflag:$0x3] =	stream.linear.gather [hbm4b:s2+s5], $0x200, $0x38;
	[tilespmem:$0x10200] =	vst v63  }
0x8: {  	_ =	swait.ge [sflag:s23], $0x200  }
0x9: {  	[sflag:s23] =	ssyncset.done $0x0  }
0xa: {  	s24 =	simm.s32 $0x80;
	s25 =	simm.s32 $0x200;
	[sflag:s23] =	ssyncadd.s32 $0xFFFFFE00  }
0xb: {  	[tilespmem:s25], [sflag:$0x1] =	stream.indirect.gather [hbm4b:s1+s24], $0x80, s5, s24, $0xb8;
	[tilespmem:$0x10200] =	vst v63  }
0xc: {  	s7 =	simm.s32 $0x4200  }
0xd: {  	[tilespmem:s7], [sflag:$0x1] =	stream.indirect.gather [hbm4b:s1+s24], $0x80, s24, s24, $0xb8;
	[tilespmem:$0x10200] =	vst v63  }
0xe: {  	s8 =	simm.s32 $0x100;
	s9 =	simm.s32 $0x8200  }
0xf: {  	[tilespmem:s9], [sflag:$0x1] =	stream.indirect.gather [hbm4b:s1+s24], $0x80, s8, s24, $0xb8;
	[tilespmem:$0x10200] =	vst v63  }
0x10: {  	s26 =	simm.s32 $0x180;
	s10 =	simm.s32 $0xC200;
	s28 =	simm.s32 $0x1  }
0x11: {  	[tilespmem:s10], [sflag:$0x1] =	stream.indirect.gather [hbm4b:s1+s24], $0x80, s26, s24, $0xb8;
	[tilespmem:$0x10200] =	vst v63  }
0x12: {  	_ =	swait.ge [sflag:s28], $0x4000  }
0x13: {  	s29 =	sshll.u32 s4, $0xD;
	[sflag:s28] =	ssyncset.done $0x0  }
0x14: {  	s2 =	sadd.s32 s3, s29;
	[sflag:s28] =	ssyncadd.s32 $0xFFFFC000  }
0x15: {  	[hbm4b:s2+s5] =	stream.linear.scatter [tilespmem:s25], [sflag:$0x2], $0x4000, $0x38;
	[tilespmem:$0x10200] =	vst v63  }
0x16: {  	_ =	swait.ge [sflag:s28], $0x4000  }
0x17: {  	[sflag:s28] =	ssyncset.done $0x0  }
0x18: {  	s3 =	sadd.s32 $0x800, s2;
	[sflag:s28] =	ssyncadd.s32 $0xFFFFC000  }
0x19: {  	[hbm4b:s3+s5] =	stream.linear.scatter [tilespmem:s7], [sflag:$0x2], $0x4000, $0x38;
	[tilespmem:$0x10200] =	vst v63  }
0x1a: {  	_ =	swait.ge [sflag:s28], $0x4000  }
0x1b: {  	[sflag:s28] =	ssyncset.done $0x0  }
0x1c: {  	s30 =	sadd.s32 $0x1000, s2;
	[sflag:s28] =	ssyncadd.s32 $0xFFFFC000  }
0x1d: {  	[hbm4b:s30+s5] =	stream.linear.scatter [tilespmem:s9], [sflag:$0x2], $0x4000, $0x38;
	[tilespmem:$0x10200] =	vst v63  }
0x1e: {  	_ =	swait.ge [sflag:s28], $0x4000  }
0x1f: {  	[sflag:s28] =	ssyncset.done $0x0  }
0x20: {  	s31 =	simm.s32 $0x2;
	s2 =	sadd.s32 $0x1800, s2;
	[sflag:s28] =	ssyncadd.s32 $0xFFFFC000  }
0x21: {  	[hbm4b:s2+s5] =	stream.linear.scatter [tilespmem:s10], [sflag:$0x2], $0x4000, $0x38;
	[tilespmem:$0x10200] =	vst v63  }
0x22: {  	_ =	swait.ge [sflag:s31], $0x4000  }
0x23: {  	[sflag:s31] =	ssyncset.done $0x0  }
0x24: {  	[sflag:s31] =	ssyncadd.s32 $0xFFFFC000  }
0x25: {  	_ =	swait.ge [sflag:s31], $0x4000  }
0x26: {  	[sflag:s31] =	ssyncset.done $0x0  }
0x27: {  	[sflag:s31] =	ssyncadd.s32 $0xFFFFC000  }
0x28: {  	_ =	swait.ge [sflag:s31], $0x4000  }
0x29: {  	[sflag:s31] =	ssyncset.done $0x0  }
0x2a: {  	[sflag:s31] =	ssyncadd.s32 $0xFFFFC000  }
0x2b: {  	_ =	swait.ge [sflag:s31], $0x4000  }
0x2c: {  	[sflag:s31] =	ssyncset.done $0x0  }
0x2d: {  	[sflag:s31] =	ssyncadd.s32 $0xFFFFC000  }
0x2e: {  	_ =	sfence.sel $0x180000  }
0x2f: {  	[bflag:$0x0] =	sbarrier.arrive $0xFFFF  }
0x30: {  	p0 =	sne.s32 s4, $0x0;
	_ =	strace $0x90000047  }
0x31: {  	s0 =	sadd.s32 @!p0 $0x100000, s0;
	[bflag:$0x2] =	sbarrier.arrive $0xFFFF  }
0x32: {  	[sflag:s0] =	ssyncadd.tile.s32 @!p0 $0x1;
	_ =	shalt  }
.Lfunc_end2:
_tile_overlayer_lowered:
.L_overlay_start_2:
0x33: {  	(tag) =	ssettag $0x2  }
0x34: {  	s0 =	rddreg [dreg:$0x0];
	s2 =	stileid.u32  }
0x35: {  	s1 =	rddreg [dreg:$0x1];
	p0 =	sne.s32 s2, $0x0  }
0x36: {  	s3 =	rddreg [dreg:$0x2];
	[bflag:$0x3] =	sbarrier.arrive $0xFFFF;
	s2 =	simm.s32 @!p0 $0x1C03  }
0x37: {  	[timem:s3], [sflag:s2] =	dma.local @!p0 [hbm:s0], s1  }
0x38: {  	s0 =	simm.s32 @!p0 $0x3  }
0x39: {  	_ =	swait.ge @!p0 [sflag:s0], s1  }
0x3a: {  	s1 =	ssub.s32 @!p0 $0x0, s1;
	[sflag:s0] =	ssyncset.done @!p0 $0x0  }
0x3b: {  	[sflag:s0] =	ssyncadd.s32 @!p0 s1  }
0x3c: {  	[bflag:$0x3] =	sbarrier.arrive $0xFFFF  }
0x3d: {  	_ =	shalt  }

</sc_bundles>
